<compile_context>
chip_gen: v7x
topology: tpu7x:2x2x1
jax: 0.10.2.dev20260603
libtpu: 0.0.44.dev20260713+nightly
codegen_flags: <defaults>
</compile_context>

<pallas_src>
import functools

import jax
import jax.numpy as jnp
import numpy as np
from jax import lax
from jax.experimental import pallas as pl
from jax.experimental.pallas import tpu as pltpu
from jax.experimental.pallas import tpu_sc as plsc

_NPOSES = 4
_NBLOCKS = 16
_APB = 64
_NATOMS = _NBLOCKS * _APB
_LANES = 16

_CNSTRS = np.array([[0, 0, 2, 0], [0, 0, 2, 0], [0, 0, 2, 0]], dtype=np.int32)
_MAX_N_ATOMS = 4
_CA = np.zeros((3, _MAX_N_ATOMS, 2), dtype=np.int32)
_CA[0, 0] = [0, 0]; _CA[0, 1] = [1, 1]
_CA[1, 0] = [1, 0]; _CA[1, 1] = [2, 1]
_CA[2, 0] = [0, 0]; _CA[2, 1] = [1, 1]
_NC = _CNSTRS.shape[0]


def _lane_const(vals, dtype=np.int32):
    pad = np.zeros(_LANES, dtype=dtype)
    pad[: len(vals)] = vals
    return pad


_POSE = _lane_const(_CNSTRS[:, 1])
_RES_A = _lane_const(_CA[:, 0, 0])
_ATOM_A = _lane_const(_CA[:, 0, 1])
_RES_B = _lane_const(_CA[:, 1, 0])
_ATOM_B = _lane_const(_CA[:, 1, 1])
_ACTIVE = np.zeros(_LANES, dtype=bool)
_ACTIVE[:_NC] = _CNSTRS[:, 0] == 0
_POSES_PRESENT = sorted({int(p) for i, p in enumerate(_CNSTRS[:, 1]) if _ACTIVE[i]})
_POSE_SET = sorted({int(p) for p in _POSE})
_POSE_DENSE = np.array([_POSE_SET.index(int(p)) for p in _POSE], dtype=np.int32)


def _body_sc(coords_hbm, offsets_hbm, out_hbm, coords_v, off_v, scores_v,
             sem_c, sem_o):
    cid = lax.axis_index("c")
    sid = lax.axis_index("s")

    @pl.when(jnp.logical_and(cid == 0, sid == 0))
    def _():
        copy_o = pltpu.make_async_copy(offsets_hbm, off_v, sem_o)
        copy_o.start()
        copies_c = []
        for k, p in enumerate(_POSE_SET):
            c = pltpu.make_async_copy(coords_hbm.at[p], coords_v.at[k], sem_c)
            c.start()
            copies_c.append(c)
        copy_o.wait()
        for c in copies_c:
            c.wait()

        lane = lax.iota(jnp.int32, _LANES)

        def lane_tbl(tbl):
            v = jnp.zeros((_LANES,), jnp.int32)
            for i in range(_NC):
                if tbl[i] != 0:
                    v = jnp.where(lane == i, jnp.int32(int(tbl[i])), v)
            return v

        pose = lane_tbl(_POSE)
        posek = lane_tbl(_POSE_DENSE)
        off_a = plsc.load_gather(off_v, [pose, lane_tbl(_RES_A)])
        off_b = plsc.load_gather(off_v, [pose, lane_tbl(_RES_B)])
        ga = off_a + lane_tbl(_ATOM_A)
        gb = off_b + lane_tbl(_ATOM_B)

        comp0 = jnp.zeros((_LANES,), jnp.int32)
        comp1 = comp0 + jnp.int32(1)
        comp2 = comp0 + jnp.int32(2)
        dx = plsc.load_gather(coords_v, [posek, ga, comp0]) - plsc.load_gather(
            coords_v, [posek, gb, comp0])
        dy = plsc.load_gather(coords_v, [posek, ga, comp1]) - plsc.load_gather(
            coords_v, [posek, gb, comp1])
        dz = plsc.load_gather(coords_v, [posek, ga, comp2]) - plsc.load_gather(
            coords_v, [posek, gb, comp2])

        d2 = jnp.maximum(dx * dx + dy * dy + dz * dz, jnp.float32(1e-30))
        bits = plsc.bitcast(d2, jnp.int32)
        y = plsc.bitcast(jnp.int32(0x5F3759DF) - (bits >> 1), jnp.float32)
        for _ in range(3):
            y = y * (jnp.float32(1.5) - jnp.float32(0.5) * d2 * y * y)
        dist = d2 * y

        t = dist - jnp.float32(4.0)
        harm = t * t

        scores = jnp.zeros((_LANES,), jnp.float32)
        for p in _POSES_PRESENT:
            sel_np = _ACTIVE & (_POSE == p)
            sel = jnp.zeros((_LANES,), jnp.bool_)
            for i in np.nonzero(sel_np)[0]:
                sel = jnp.logical_or(sel, lane == int(i))
            total = jnp.sum(jnp.where(sel, harm, jnp.float32(0.0)))
            onehot = jnp.where(
                lane == p, jnp.float32(1.0), jnp.float32(0.0))
            scores = scores + total * onehot

        scores_v[...] = scores
        pltpu.sync_copy(scores_v.at[pl.ds(0, _NPOSES)], out_hbm.at[0])


@functools.cache
def _score_sc():
    return pl.kernel(
        _body_sc,
        mesh=plsc.VectorSubcoreMesh(
            core_axis_name="c", subcore_axis_name="s", num_cores=1),
        out_type=jax.ShapeDtypeStruct((1, _NPOSES), jnp.float32),
        scratch_types=[
            pltpu.VMEM((len(_POSE_SET), _NATOMS, 3), jnp.float32),
            pltpu.VMEM((_NPOSES, _NBLOCKS), jnp.int32),
            pltpu.VMEM((_LANES,), jnp.float32),
            pltpu.SemaphoreType.DMA,
            pltpu.SemaphoreType.DMA,
        ],
        compiler_params=pltpu.CompilerParams(
            needs_layout_passes=False,
            use_tc_tiling_on_sc=False,
            disable_bounds_checks=True,
            disable_semaphore_checks=True,
            skip_device_barrier=True,
        ),
    )


def kernel(coords, pose_stack_block_coord_offset):
    return _score_sc()(coords, pose_stack_block_coord_offset)

# --- scband reference (transcript-rebuilt; emitter-appended) ---
"""Pipeline reference for scband-constraint-whole-pose-scoring-module-40054865002541 (READ-ONLY COPY).

The authoritative reference and input builder live on the scoring server;
editing this copy changes nothing except your own understanding.
"""

import jax, jax.numpy as jnp
import numpy as np

NPOSES = 4
NBLOCKS = 16
APB = 64
NATOMS = NBLOCKS * APB


def setup_inputs(seed: int = 0) -> dict:
    key = jax.random.key(seed)
    coords = jax.random.normal(key, (NPOSES, NATOMS, 3), dtype=jnp.float32)
    offsets = (jnp.arange(NBLOCKS, dtype=jnp.int32) * APB)[None, :].repeat(NPOSES, axis=0)
    return {"coords": coords, "pose_stack_block_coord_offset": offsets}


def _forward(coords, pose_stack_block_coord_offset):
    MAX_N_ATOMS = 4
    cnstrs = jnp.array([[0, 0, 2, 0], [0, 0, 2, 0], [0, 0, 2, 0]], dtype=jnp.int32)
    ca = np.zeros((3, MAX_N_ATOMS, 2), dtype=np.int32)
    ca[0, 0] = [0, 0]; ca[0, 1] = [1, 1]
    ca[1, 0] = [1, 0]; ca[1, 1] = [2, 1]
    ca[2, 0] = [0, 0]; ca[2, 1] = [1, 1]
    cnstr_atoms = jnp.asarray(ca)
    atom_pose_indices = jnp.repeat(cnstrs[:, 1], MAX_N_ATOMS)
    atom_residue_indices = cnstr_atoms[:, :, 0]
    atom_atom_indices = cnstr_atoms[:, :, 1]
    atom_offsets = pose_stack_block_coord_offset[atom_pose_indices, atom_residue_indices.reshape(-1)].reshape(atom_residue_indices.shape)
    atom_global_indices = atom_offsets + atom_atom_indices
    atom_coords = coords[atom_pose_indices, atom_global_indices.reshape(-1)].reshape(atom_global_indices.shape[0], atom_global_indices.shape[1], 3)
    types = cnstrs[:, 0]
    atoms1 = atom_coords[:, 0]
    atoms2 = atom_coords[:, 1]
    diff = atoms1 - atoms2
    harm = (jnp.sqrt(jnp.sum(diff ** 2, axis=1)) - 4.0) ** 2
    cnstr_scores = jnp.where(types == 0, harm, 0.0)
    nposes, nblocks = pose_stack_block_coord_offset.shape
    flattened = jnp.zeros((nposes * nblocks * nblocks,), dtype=jnp.float32)
    ari = atom_residue_indices
    indices1 = cnstrs[:, 1] * nblocks ** 2 + ari[:, 0] * nblocks + ari[:, 1]
    indices2 = cnstrs[:, 1] * nblocks ** 2 + ari[:, 1] * nblocks + ari[:, 0]
    flattened = flattened.at[indices1].add(cnstr_scores / 2).at[indices2].add(cnstr_scores / 2)
    block_scores = flattened.reshape(nposes, nblocks, nblocks)
    scores = jnp.sum(block_scores, axis=(1, 2))
    return scores[None, :]


def reference(coords, pose_stack_block_coord_offset):
    return _forward(coords, pose_stack_block_coord_offset)

if __name__ == "__main__":
    import jax
    _d = setup_inputs()
    print(jax.jit(kernel)(*tuple(_d.values())))

</pallas_src>

<mosaic_0001>
#map = affine_map<(d0, d1) -> (0, 0, 0)>
#map1 = affine_map<(d0, d1) -> (0, 0)>
module attributes {stable_mosaic.version = 14 : i64} {
  func.func @_body_sc(%arg0: i32, %arg1: i32, %arg2: memref<4x1024x3xf32, #tpu.memory_space<hbm>>, %arg3: memref<4x16xi32, #tpu.memory_space<hbm>>, %arg4: memref<1x4xf32, #tpu.memory_space<hbm>>, %arg5: memref<1x1024x3xf32, #tpu.memory_space<vmem>>, %arg6: memref<4x16xi32, #tpu.memory_space<vmem>>, %arg7: memref<16xf32, #tpu.memory_space<vmem>>, %arg8: memref<!tpu.dma_semaphore, #tpu.memory_space<semaphore_mem>>, %arg9: memref<!tpu.dma_semaphore, #tpu.memory_space<semaphore_mem>>) attributes {dimension_semantics = [#tpu.dimension_semantics<core_parallel>, #tpu.dimension_semantics<subcore_parallel>], iteration_bounds = array<i64: 1, 16>, scalar_prefetch = 0 : i64, scratch_operands = 5 : i64, tpu.core_type = #tpu.core_type<sc_vector_subcore>, window_params = [{transform_indices = #map}, {transform_indices = #map1}, {transform_indices = #map1}]} {
    %eq3A = arith.constant 0 : i32
    %eq3A_0 = arith.cmpi eq, %arg0, %eq3A : i32
    %eq3A_1 = arith.constant 0 : i32
    %eq3A_2 = arith.cmpi eq, %arg1, %eq3A_1 : i32
    %and3A = arith.andi %eq3A_0, %eq3A_2 : i1
    %convert_element_type3A = arith.extui %and3A : i1 to i32
    %cond3A = arith.constant 0 : i32
    %cond3A_3 = arith.cmpi ne, %convert_element_type3A, %cond3A : i32
    scf.if %cond3A_3 {
      tpu.enqueue_dma source(%arg3 : memref<4x16xi32, #tpu.memory_space<hbm>>) target(%arg6 : memref<4x16xi32, #tpu.memory_space<vmem>>) target_semaphore(%arg9 : memref<!tpu.dma_semaphore, #tpu.memory_space<semaphore_mem>>)
      %dma_start3A = arith.constant 0 : i32
      %dma_start3A_4 = arith.constant 0 : i32
      %dma_start3A_5 = arith.constant 0 : i32
      %dma_start3A_6 = arith.constant 0 : i32
      %dma_start3A_7 = tpu.memref_slice %arg5[%dma_start3A_4, %dma_start3A_5, %dma_start3A_6] : memref<1x1024x3xf32, #tpu.memory_space<vmem>> -> memref<1x1024x3xf32, #tpu.memory_space<vmem>>
      %dma_start3A_8 = tpu.memref_squeeze %dma_start3A_7 : memref<1x1024x3xf32, #tpu.memory_space<vmem>> -> memref<1024x3xf32, #tpu.memory_space<vmem>>
      %dma_start3A_9 = arith.constant 0 : i32
      %dma_start3A_10 = arith.constant 0 : i32
      %dma_start3A_11 = tpu.memref_slice %arg2[%dma_start3A, %dma_start3A_9, %dma_start3A_10] : memref<4x1024x3xf32, #tpu.memory_space<hbm>> -> memref<1x1024x3xf32, #tpu.memory_space<hbm>>
      %dma_start3A_12 = tpu.memref_squeeze %dma_start3A_11 : memref<1x1024x3xf32, #tpu.memory_space<hbm>> -> memref<1024x3xf32, #tpu.memory_space<hbm>>
      %dma_start3A_13 = arith.constant 0 : i32
      %dma_start3A_14 = arith.constant 0 : i32
      %dma_start3A_15 = tpu.memref_slice %arg5[%dma_start3A_4, %dma_start3A_13, %dma_start3A_14] : memref<1x1024x3xf32, #tpu.memory_space<vmem>> -> memref<1x1024x3xf32, #tpu.memory_space<vmem>>
      %dma_start3A_16 = tpu.memref_squeeze %dma_start3A_15 : memref<1x1024x3xf32, #tpu.memory_space<vmem>> -> memref<1024x3xf32, #tpu.memory_space<vmem>>
      %dma_start3A_17 = arith.constant 0 : i32
      %dma_start3A_18 = arith.constant 0 : i32
      %dma_start3A_19 = tpu.memref_slice %arg2[%dma_start3A, %dma_start3A_17, %dma_start3A_18] : memref<4x1024x3xf32, #tpu.memory_space<hbm>> -> memref<1x1024x3xf32, #tpu.memory_space<hbm>>
      %dma_start3A_20 = tpu.memref_squeeze %dma_start3A_19 : memref<1x1024x3xf32, #tpu.memory_space<hbm>> -> memref<1024x3xf32, #tpu.memory_space<hbm>>
      tpu.enqueue_dma source(%dma_start3A_20 : memref<1024x3xf32, #tpu.memory_space<hbm>>) target(%dma_start3A_16 : memref<1024x3xf32, #tpu.memory_space<vmem>>) target_semaphore(%arg8 : memref<!tpu.dma_semaphore, #tpu.memory_space<semaphore_mem>>)
      tpu.wait_dma2 semaphore(%arg9 : memref<!tpu.dma_semaphore, #tpu.memory_space<semaphore_mem>>) src(%arg3 : memref<4x16xi32, #tpu.memory_space<hbm>>) dst(%arg6 : memref<4x16xi32, #tpu.memory_space<vmem>>)
      %dma_wait3A = arith.constant 0 : i32
      %dma_wait3A_21 = arith.constant 0 : i32
      %dma_wait3A_22 = arith.constant 0 : i32
      %dma_wait3A_23 = arith.constant 0 : i32
      %dma_wait3A_24 = tpu.memref_slice %arg5[%dma_wait3A_21, %dma_wait3A_22, %dma_wait3A_23] : memref<1x1024x3xf32, #tpu.memory_space<vmem>> -> memref<1x1024x3xf32, #tpu.memory_space<vmem>>
      %dma_wait3A_25 = tpu.memref_squeeze %dma_wait3A_24 : memref<1x1024x3xf32, #tpu.memory_space<vmem>> -> memref<1024x3xf32, #tpu.memory_space<vmem>>
      %dma_wait3A_26 = arith.constant 0 : i32
      %dma_wait3A_27 = arith.constant 0 : i32
      %dma_wait3A_28 = tpu.memref_slice %arg2[%dma_wait3A, %dma_wait3A_26, %dma_wait3A_27] : memref<4x1024x3xf32, #tpu.memory_space<hbm>> -> memref<1x1024x3xf32, #tpu.memory_space<hbm>>
      %dma_wait3A_29 = tpu.memref_squeeze %dma_wait3A_28 : memref<1x1024x3xf32, #tpu.memory_space<hbm>> -> memref<1024x3xf32, #tpu.memory_space<hbm>>
      %dma_wait3A_30 = arith.constant 0 : i32
      %dma_wait3A_31 = arith.constant 0 : i32
      %dma_wait3A_32 = tpu.memref_slice %arg5[%dma_wait3A_21, %dma_wait3A_30, %dma_wait3A_31] : memref<1x1024x3xf32, #tpu.memory_space<vmem>> -> memref<1x1024x3xf32, #tpu.memory_space<vmem>>
      %dma_wait3A_33 = tpu.memref_squeeze %dma_wait3A_32 : memref<1x1024x3xf32, #tpu.memory_space<vmem>> -> memref<1024x3xf32, #tpu.memory_space<vmem>>
      %dma_wait3A_34 = arith.constant 0 : i32
      %dma_wait3A_35 = arith.constant 0 : i32
      %dma_wait3A_36 = tpu.memref_slice %arg2[%dma_wait3A, %dma_wait3A_34, %dma_wait3A_35] : memref<4x1024x3xf32, #tpu.memory_space<hbm>> -> memref<1x1024x3xf32, #tpu.memory_space<hbm>>
      %dma_wait3A_37 = tpu.memref_squeeze %dma_wait3A_36 : memref<1x1024x3xf32, #tpu.memory_space<hbm>> -> memref<1024x3xf32, #tpu.memory_space<hbm>>
      tpu.wait_dma2 semaphore(%arg8 : memref<!tpu.dma_semaphore, #tpu.memory_space<semaphore_mem>>) src(%dma_wait3A_37 : memref<1024x3xf32, #tpu.memory_space<hbm>>) dst(%dma_wait3A_33 : memref<1024x3xf32, #tpu.memory_space<vmem>>)
      %iota3A = tpu.iota {dimensions = array<i32: 0>} : vector<16xi32>
      %broadcast_in_dim3A = arith.constant 0 : i32
      %broadcast_in_dim3A_38 = vector.broadcast %broadcast_in_dim3A : i32 to vector<16xi32>
      %broadcast_in_dim3A_39 = arith.constant 0 : i32
      %broadcast_in_dim3A_40 = vector.broadcast %broadcast_in_dim3A_39 : i32 to vector<16xi32>
      %broadcast_in_dim3A_41 = arith.constant 0 : i32
      %broadcast_in_dim3A_42 = vector.broadcast %broadcast_in_dim3A_41 : i32 to vector<16xi32>
      %eq3A_43 = arith.constant 1 : i32
      %eq3A_44 = vector.broadcast %eq3A_43 : i32 to vector<16xi32>
      %eq3A_45 = arith.cmpi eq, %iota3A, %eq3A_44 : vector<16xi32>
      %jit3A = arith.constant 1 : i32
      %broadcast_in_dim3A_46 = vector.broadcast %jit3A : i32 to vector<16xi32>
      %select_n3A = arith.select %eq3A_45, %broadcast_in_dim3A_46, %broadcast_in_dim3A_42 : vector<16xi1>, vector<16xi32>
      %gather3A = tpu.vector_load_idx %arg6[%broadcast_in_dim3A_38, %select_n3A] : memref<4x16xi32, #tpu.memory_space<vmem>>[vector<16xi32>, vector<16xi32>], vector<16xi32>,
      %broadcast_in_dim3A_47 = arith.constant 0 : i32
      %broadcast_in_dim3A_48 = vector.broadcast %broadcast_in_dim3A_47 : i32 to vector<16xi32>
      %eq3A_49 = arith.constant 0 : i32
      %eq3A_50 = vector.broadcast %eq3A_49 : i32 to vector<16xi32>
      %eq3A_51 = arith.cmpi eq, %iota3A, %eq3A_50 : vector<16xi32>
      %jit3A_52 = arith.constant 1 : i32
      %broadcast_in_dim3A_53 = vector.broadcast %jit3A_52 : i32 to vector<16xi32>
      %select_n3A_54 = arith.select %eq3A_51, %broadcast_in_dim3A_53, %broadcast_in_dim3A_48 : vector<16xi1>, vector<16xi32>
      %eq3A_55 = arith.constant 1 : i32
      %eq3A_56 = vector.broadcast %eq3A_55 : i32 to vector<16xi32>
      %eq3A_57 = arith.cmpi eq, %iota3A, %eq3A_56 : vector<16xi32>
      %jit3A_58 = arith.constant 2 : i32
      %broadcast_in_dim3A_59 = vector.broadcast %jit3A_58 : i32 to vector<16xi32>
      %select_n3A_60 = arith.select %eq3A_57, %broadcast_in_dim3A_59, %select_n3A_54 : vector<16xi1>, vector<16xi32>
      %eq3A_61 = arith.constant 2 : i32
      %eq3A_62 = vector.broadcast %eq3A_61 : i32 to vector<16xi32>
      %eq3A_63 = arith.cmpi eq, %iota3A, %eq3A_62 : vector<16xi32>
      %jit3A_64 = arith.constant 1 : i32
      %broadcast_in_dim3A_65 = vector.broadcast %jit3A_64 : i32 to vector<16xi32>
      %select_n3A_66 = arith.select %eq3A_63, %broadcast_in_dim3A_65, %select_n3A_60 : vector<16xi1>, vector<16xi32>
      %gather3A_67 = tpu.vector_load_idx %arg6[%broadcast_in_dim3A_38, %select_n3A_66] : memref<4x16xi32, #tpu.memory_space<vmem>>[vector<16xi32>, vector<16xi32>], vector<16xi32>,
      %broadcast_in_dim3A_68 = arith.constant 0 : i32
      %broadcast_in_dim3A_69 = vector.broadcast %broadcast_in_dim3A_68 : i32 to vector<16xi32>
      %add3A = arith.addi %gather3A, %broadcast_in_dim3A_69 : vector<16xi32>
      %broadcast_in_dim3A_70 = arith.constant 0 : i32
      %broadcast_in_dim3A_71 = vector.broadcast %broadcast_in_dim3A_70 : i32 to vector<16xi32>
      %eq3A_72 = arith.constant 0 : i32
      %eq3A_73 = vector.broadcast %eq3A_72 : i32 to vector<16xi32>
      %eq3A_74 = arith.cmpi eq, %iota3A, %eq3A_73 : vector<16xi32>
      %jit3A_75 = arith.constant 1 : i32
      %broadcast_in_dim3A_76 = vector.broadcast %jit3A_75 : i32 to vector<16xi32>
      %select_n3A_77 = arith.select %eq3A_74, %broadcast_in_dim3A_76, %broadcast_in_dim3A_71 : vector<16xi1>, vector<16xi32>
      %eq3A_78 = arith.constant 1 : i32
      %eq3A_79 = vector.broadcast %eq3A_78 : i32 to vector<16xi32>
      %eq3A_80 = arith.cmpi eq, %iota3A, %eq3A_79 : vector<16xi32>
      %jit3A_81 = arith.constant 1 : i32
      %broadcast_in_dim3A_82 = vector.broadcast %jit3A_81 : i32 to vector<16xi32>
      %select_n3A_83 = arith.select %eq3A_80, %broadcast_in_dim3A_82, %select_n3A_77 : vector<16xi1>, vector<16xi32>
      %eq3A_84 = arith.constant 2 : i32
      %eq3A_85 = vector.broadcast %eq3A_84 : i32 to vector<16xi32>
      %eq3A_86 = arith.cmpi eq, %iota3A, %eq3A_85 : vector<16xi32>
      %jit3A_87 = arith.constant 1 : i32
      %broadcast_in_dim3A_88 = vector.broadcast %jit3A_87 : i32 to vector<16xi32>
      %select_n3A_89 = arith.select %eq3A_86, %broadcast_in_dim3A_88, %select_n3A_83 : vector<16xi1>, vector<16xi32>
      %add3A_90 = arith.addi %gather3A_67, %select_n3A_89 : vector<16xi32>
      %broadcast_in_dim3A_91 = arith.constant 0 : i32
      %broadcast_in_dim3A_92 = vector.broadcast %broadcast_in_dim3A_91 : i32 to vector<16xi32>
      %add3A_93 = arith.constant 1 : i32
      %add3A_94 = vector.broadcast %add3A_93 : i32 to vector<16xi32>
      %add3A_95 = arith.addi %broadcast_in_dim3A_92, %add3A_94 : vector<16xi32>
      %add3A_96 = arith.constant 2 : i32
      %add3A_97 = vector.broadcast %add3A_96 : i32 to vector<16xi32>
      %add3A_98 = arith.addi %broadcast_in_dim3A_92, %add3A_97 : vector<16xi32>
      %gather3A_99 = tpu.vector_load_idx %arg5[%broadcast_in_dim3A_40, %add3A, %broadcast_in_dim3A_92] : memref<1x1024x3xf32, #tpu.memory_space<vmem>>[vector<16xi32>, vector<16xi32>, vector<16xi32>], vector<16xf32>,
      %gather3A_100 = tpu.vector_load_idx %arg5[%broadcast_in_dim3A_40, %add3A_90, %broadcast_in_dim3A_92] : memref<1x1024x3xf32, #tpu.memory_space<vmem>>[vector<16xi32>, vector<16xi32>, vector<16xi32>], vector<16xf32>,
      %sub3A = arith.subf %gather3A_99, %gather3A_100 : vector<16xf32>
      %gather3A_101 = tpu.vector_load_idx %arg5[%broadcast_in_dim3A_40, %add3A, %add3A_95] : memref<1x1024x3xf32, #tpu.memory_space<vmem>>[vector<16xi32>, vector<16xi32>, vector<16xi32>], vector<16xf32>,
      %gather3A_102 = tpu.vector_load_idx %arg5[%broadcast_in_dim3A_40, %add3A_90, %add3A_95] : memref<1x1024x3xf32, #tpu.memory_space<vmem>>[vector<16xi32>, vector<16xi32>, vector<16xi32>], vector<16xf32>,
      %sub3A_103 = arith.subf %gather3A_101, %gather3A_102 : vector<16xf32>
      %gather3A_104 = tpu.vector_load_idx %arg5[%broadcast_in_dim3A_40, %add3A, %add3A_98] : memref<1x1024x3xf32, #tpu.memory_space<vmem>>[vector<16xi32>, vector<16xi32>, vector<16xi32>], vector<16xf32>,
      %gather3A_105 = tpu.vector_load_idx %arg5[%broadcast_in_dim3A_40, %add3A_90, %add3A_98] : memref<1x1024x3xf32, #tpu.memory_space<vmem>>[vector<16xi32>, vector<16xi32>, vector<16xi32>], vector<16xf32>,
      %sub3A_106 = arith.subf %gather3A_104, %gather3A_105 : vector<16xf32>
      %mul3A = arith.mulf %sub3A, %sub3A : vector<16xf32>
      %mul3A_107 = arith.mulf %sub3A_103, %sub3A_103 : vector<16xf32>
      %add3A_108 = arith.addf %mul3A, %mul3A_107 : vector<16xf32>
      %mul3A_109 = arith.mulf %sub3A_106, %sub3A_106 : vector<16xf32>
      %add3A_110 = arith.addf %add3A_108, %mul3A_109 : vector<16xf32>
      %max3A = arith.constant 1.000000e-30 : f32
      %max3A_111 = vector.broadcast %max3A : f32 to vector<16xf32>
      %max3A_112 = arith.maximumf %add3A_110, %max3A_111 : vector<16xf32>
      %bitcast3A = vector.bitcast %max3A_112 : vector<16xf32> to vector<16xi32>
      %shift_right_arithmetic3A = arith.constant 1 : i32
      %shift_right_arithmetic3A_113 = vector.broadcast %shift_right_arithmetic3A : i32 to vector<16xi32>
      %shift_right_arithmetic3A_114 = arith.shrsi %bitcast3A, %shift_right_arithmetic3A_113 : vector<16xi32>
      %sub3A_115 = arith.constant 1597463007 : i32
      %sub3A_116 = vector.broadcast %sub3A_115 : i32 to vector<16xi32>
      %sub3A_117 = arith.subi %sub3A_116, %shift_right_arithmetic3A_114 : vector<16xi32>
      %bitcast3A_118 = vector.bitcast %sub3A_117 : vector<16xi32> to vector<16xf32>
      %mul3A_119 = arith.constant 5.000000e-01 : f32
      %mul3A_120 = vector.broadcast %mul3A_119 : f32 to vector<16xf32>
      %mul3A_121 = arith.mulf %mul3A_120, %max3A_112 : vector<16xf32>
      %mul3A_122 = arith.mulf %mul3A_121, %bitcast3A_118 : vector<16xf32>
      %mul3A_123 = arith.mulf %mul3A_122, %bitcast3A_118 : vector<16xf32>
      %sub3A_124 = arith.constant 1.500000e+00 : f32
      %sub3A_125 = vector.broadcast %sub3A_124 : f32 to vector<16xf32>
      %sub3A_126 = arith.subf %sub3A_125, %mul3A_123 : vector<16xf32>
      %mul3A_127 = arith.mulf %bitcast3A_118, %sub3A_126 : vector<16xf32>
      %mul3A_128 = arith.constant 5.000000e-01 : f32
      %mul3A_129 = vector.broadcast %mul3A_128 : f32 to vector<16xf32>
      %mul3A_130 = arith.mulf %mul3A_129, %max3A_112 : vector<16xf32>
      %mul3A_131 = arith.mulf %mul3A_130, %mul3A_127 : vector<16xf32>
      %mul3A_132 = arith.mulf %mul3A_131, %mul3A_127 : vector<16xf32>
      %sub3A_133 = arith.constant 1.500000e+00 : f32
      %sub3A_134 = vector.broadcast %sub3A_133 : f32 to vector<16xf32>
      %sub3A_135 = arith.subf %sub3A_134, %mul3A_132 : vector<16xf32>
      %mul3A_136 = arith.mulf %mul3A_127, %sub3A_135 : vector<16xf32>
      %mul3A_137 = arith.constant 5.000000e-01 : f32
      %mul3A_138 = vector.broadcast %mul3A_137 : f32 to vector<16xf32>
      %mul3A_139 = arith.mulf %mul3A_138, %max3A_112 : vector<16xf32>
      %mul3A_140 = arith.mulf %mul3A_139, %mul3A_136 : vector<16xf32>
      %mul3A_141 = arith.mulf %mul3A_140, %mul3A_136 : vector<16xf32>
      %sub3A_142 = arith.constant 1.500000e+00 : f32
      %sub3A_143 = vector.broadcast %sub3A_142 : f32 to vector<16xf32>
      %sub3A_144 = arith.subf %sub3A_143, %mul3A_141 : vector<16xf32>
      %mul3A_145 = arith.mulf %mul3A_136, %sub3A_144 : vector<16xf32>
      %mul3A_146 = arith.mulf %max3A_112, %mul3A_145 : vector<16xf32>
      %sub3A_147 = arith.constant 4.000000e+00 : f32
      %sub3A_148 = vector.broadcast %sub3A_147 : f32 to vector<16xf32>
      %sub3A_149 = arith.subf %mul3A_146, %sub3A_148 : vector<16xf32>
      %mul3A_150 = arith.mulf %sub3A_149, %sub3A_149 : vector<16xf32>
      %broadcast_in_dim3A_151 = arith.constant 0.000000e+00 : f32
      %broadcast_in_dim3A_152 = vector.broadcast %broadcast_in_dim3A_151 : f32 to vector<16xf32>
      %broadcast_in_dim3A_153 = arith.constant false
      %broadcast_in_dim3A_154 = vector.broadcast %broadcast_in_dim3A_153 : i1 to vector<16xi1>
      %eq3A_155 = arith.constant 0 : i32
      %eq3A_156 = vector.broadcast %eq3A_155 : i32 to vector<16xi32>
      %eq3A_157 = arith.cmpi eq, %iota3A, %eq3A_156 : vector<16xi32>
      %or3A = arith.ori %broadcast_in_dim3A_154, %eq3A_157 : vector<16xi1>
      %eq3A_158 = arith.constant 1 : i32
      %eq3A_159 = vector.broadcast %eq3A_158 : i32 to vector<16xi32>
      %eq3A_160 = arith.cmpi eq, %iota3A, %eq3A_159 : vector<16xi32>
      %or3A_161 = arith.ori %or3A, %eq3A_160 : vector<16xi1>
      %eq3A_162 = arith.constant 2 : i32
      %eq3A_163 = vector.broadcast %eq3A_162 : i32 to vector<16xi32>
      %eq3A_164 = arith.cmpi eq, %iota3A, %eq3A_163 : vector<16xi32>
      %or3A_165 = arith.ori %or3A_161, %eq3A_164 : vector<16xi1>
      %jit3A_166 = arith.constant 0.000000e+00 : f32
      %broadcast_in_dim3A_167 = vector.broadcast %jit3A_166 : f32 to vector<16xf32>
      %select_n3A_168 = arith.select %or3A_165, %mul3A_150, %broadcast_in_dim3A_167 : vector<16xi1>, vector<16xf32>
      %reduce_sum3A = arith.constant true
      %reduce_sum3A_169 = vector.broadcast %reduce_sum3A : i1 to vector<16xi1>
      %reduce_sum3A_170 = tpu.scan <sum>, %select_n3A_168 masked %reduce_sum3A_169 : vector<16xf32>, vector<16xi1> -> vector<16xf32>
      %reduce_sum3A_171 = vector.extract %reduce_sum3A_170[15] : f32 from vector<16xf32>
      %eq3A_172 = arith.constant 0 : i32
      %eq3A_173 = vector.broadcast %eq3A_172 : i32 to vector<16xi32>
      %eq3A_174 = arith.cmpi eq, %iota3A, %eq3A_173 : vector<16xi32>
      %jit3A_175 = arith.constant 1.000000e+00 : f32
      %jit3A_176 = arith.constant 0.000000e+00 : f32
      %broadcast_in_dim3A_177 = vector.broadcast %jit3A_175 : f32 to vector<16xf32>
      %broadcast_in_dim3A_178 = vector.broadcast %jit3A_176 : f32 to vector<16xf32>
      %select_n3A_179 = arith.select %eq3A_174, %broadcast_in_dim3A_177, %broadcast_in_dim3A_178 : vector<16xi1>, vector<16xf32>
      %mul3A_180 = vector.broadcast %reduce_sum3A_171 : f32 to vector<16xf32>
      %mul3A_181 = arith.mulf %mul3A_180, %select_n3A_179 : vector<16xf32>
      %add3A_182 = arith.addf %broadcast_in_dim3A_152, %mul3A_181 : vector<16xf32>
      %swap3A = arith.constant 0 : index
      %swap3A_183 = tpu.vector_load %arg7[%swap3A] {strides = array<i32>} : memref<16xf32, #tpu.memory_space<vmem>>, vector<16xf32>,
      tpu.vector_store %arg7[%swap3A], %add3A_182 {strides = array<i32>} : memref<16xf32, #tpu.memory_space<vmem>>, vector<16xf32>,
      %run_scoped3A = arith.constant 0 : i32
      "tpu.region"() ({
        %run_scoped3A_184 = tpu.sem_alloc : memref<!tpu.dma_semaphore, #tpu.memory_space<semaphore_mem>>
        %dma_start3A_185 = arith.constant 0 : i32
        %dma_start3A_186 = tpu.memref_slice %arg7[%dma_start3A_185] : memref<16xf32, #tpu.memory_space<vmem>> -> memref<4xf32, #tpu.memory_space<vmem>>
        %dma_start3A_187 = arith.constant 0 : i32
        %dma_start3A_188 = tpu.memref_slice %arg4[%run_scoped3A, %dma_start3A_187] : memref<1x4xf32, #tpu.memory_space<hbm>> -> memref<1x4xf32, #tpu.memory_space<hbm>>
        %dma_start3A_189 = tpu.memref_squeeze %dma_start3A_188 : memref<1x4xf32, #tpu.memory_space<hbm>> -> memref<4xf32, #tpu.memory_space<hbm>>
        %dma_start3A_190 = arith.constant 0 : i32
        %dma_start3A_191 = tpu.memref_slice %arg4[%run_scoped3A, %dma_start3A_190] : memref<1x4xf32, #tpu.memory_space<hbm>> -> memref<1x4xf32, #tpu.memory_space<hbm>>
        %dma_start3A_192 = tpu.memref_squeeze %dma_start3A_191 : memref<1x4xf32, #tpu.memory_space<hbm>> -> memref<4xf32, #tpu.memory_space<hbm>>
        %dma_start3A_193 = arith.constant 0 : i32
        %dma_start3A_194 = tpu.memref_slice %arg7[%dma_start3A_193] : memref<16xf32, #tpu.memory_space<vmem>> -> memref<4xf32, #tpu.memory_space<vmem>>
        tpu.enqueue_dma source(%dma_start3A_194 : memref<4xf32, #tpu.memory_space<vmem>>) target(%dma_start3A_192 : memref<4xf32, #tpu.memory_space<hbm>>) target_semaphore(%run_scoped3A_184 : memref<!tpu.dma_semaphore, #tpu.memory_space<semaphore_mem>>)
        %dma_wait3A_195 = arith.constant 0 : i32
        %dma_wait3A_196 = tpu.memref_slice %arg7[%dma_wait3A_195] : memref<16xf32, #tpu.memory_space<vmem>> -> memref<4xf32, #tpu.memory_space<vmem>>
        %dma_wait3A_197 = arith.constant 0 : i32
        %dma_wait3A_198 = tpu.memref_slice %arg4[%run_scoped3A, %dma_wait3A_197] : memref<1x4xf32, #tpu.memory_space<hbm>> -> memref<1x4xf32, #tpu.memory_space<hbm>>
        %dma_wait3A_199 = tpu.memref_squeeze %dma_wait3A_198 : memref<1x4xf32, #tpu.memory_space<hbm>> -> memref<4xf32, #tpu.memory_space<hbm>>
        %dma_wait3A_200 = arith.constant 0 : i32
        %dma_wait3A_201 = tpu.memref_slice %arg4[%run_scoped3A, %dma_wait3A_200] : memref<1x4xf32, #tpu.memory_space<hbm>> -> memref<1x4xf32, #tpu.memory_space<hbm>>
        %dma_wait3A_202 = tpu.memref_squeeze %dma_wait3A_201 : memref<1x4xf32, #tpu.memory_space<hbm>> -> memref<4xf32, #tpu.memory_space<hbm>>
        %dma_wait3A_203 = arith.constant 0 : i32
        %dma_wait3A_204 = tpu.memref_slice %arg7[%dma_wait3A_203] : memref<16xf32, #tpu.memory_space<vmem>> -> memref<4xf32, #tpu.memory_space<vmem>>
        tpu.wait_dma2 semaphore(%run_scoped3A_184 : memref<!tpu.dma_semaphore, #tpu.memory_space<semaphore_mem>>) src(%dma_wait3A_204 : memref<4xf32, #tpu.memory_space<vmem>>) dst(%dma_wait3A_202 : memref<4xf32, #tpu.memory_space<hbm>>)
        tpu.yield
      }) : () -> ()
    } else {
    }
    return
  }
}

</mosaic_0001>

<sc_bundles>
// kernel: kernel.3.cloned.1.call-start
scs
__scs_entry_jumppad:
0x0: {  	(pc) =	sbr.rel $0x88, $3  }
0x1: {  	(tag) =	ssettag $0x0;
	lr =	simm.s32 $0x1  }
0x2: {  	[smem:$0x3F9F] =	sst lr;
	_ =	strace $0xD0000000  }
0x3: {  	_ = 	snop  }
0x4: {  	_ = 	snop  }
0x5: {  	_ = 	snop  }
0x6: {  	_ = 	snop  }
0x7: {  	_ = 	snop  }
__scs_overlays_trampoline_lowered:
0x8: {  	[smem:$0x3FAE] =	sst s0  }
0x9: {  	[smem:$0x3FAF] =	sst s1  }
0xa: {  	[smem:$0x3FB0] =	sst s2  }
0xb: {  	[smem:$0x3FB1] =	sst s3  }
0xc: {  	[smem:$0x3FB2] =	sst s4  }
0xd: {  	[smem:$0x3FB3] =	sst s5  }
0xe: {  	[smem:$0x3FB4] =	sst s6  }
0xf: {  	[smem:$0x3FB5] =	sst s7  }
0x10: {  	[smem:$0x3FB6] =	sst s8  }
0x11: {  	[smem:$0x3FB7] =	sst s9;
	s0 =	simm.s32 @!p0 $0x0  }
0x12: {  	s1 =	sld [smem:$0x3F9D];
	s0 =	simm.s32 @p0 $0x1  }
0x13: {  	[smem:$0x3FB8] =	sst s0;
	s0 =	simm.s32 @!p1 $0x0  }
0x14: {  	s2 =	sld [smem:$0x3F9C];
	s0 =	simm.s32 @p1 $0x1  }
0x15: {  	[smem:$0x3FB9] =	sst s0;
	s0 =	simm.s32 @!p2 $0x0  }
0x16: {  	s3 =	sld [smem:$0x3FDB];
	s0 =	simm.s32 @p2 $0x1  }
0x17: {  	s4 =	simm.s32 $0x1BF5;
	[smem:$0x3FBB] =	sst s0  }
0x18: {  	s0 =	sld [smem:$0x3F9E];
	_ =	swait.ge [sflag:s4], $0x0  }
0x19: {  	s7 =	sld [smem:$0x3F9F]  }
0x1a: {  	s8 =	sadd.s32 $0xFFFFE003, lr  }
0x1b: {  	s9 =	sadd.s32 $0xFFFFFEF7, lr;
	s5 =	simm.s32 $0xFFFFFFFF;
	p2 =	slt.u32 s8, $0xFFFFF086  }
0x1c: {  	p1 =	slt.u32 s9, $0xF7A;
	s5 =	simm.s32 @!p2 $0x0  }
0x1d: {  	s5 =	simm.s32 @p1 $0x1;
	p0 =	seq.s32 s7, s2  }
0x1e: {  	s7 =	smul.u32 @!p0 $0xF7A, s2;
	p2 =	seq.s32 @!p0 s5, $0x0  }
0x1f: {  	s9 =	smul.u32 $0xF7A, s1;
	s8 =	simm.s32 @!p0 $0x1BF5;
	p2 =	por !p2, p0  }
0x20: {  	[sflag:s8] =	ssyncset.s32 @!p0 $0xFFFFF086;
	s6 =	sadd.s32 @!p0 s3, s7;
	s7 =	simm.s32 @!p0 $0x108  }
0x21: {  	s3 =	sadd.s32 s3, s9;
	s6 =	sadd.s32 @!p0 $0x88, s6;
	s7 =	simm.s32 @p2 $0x1082  }
0x22: {  	[simem:s7], [sflag:s8] =	dma.local @!p0 [hbm:s6], $0xF7A  }
0x23: {  	s9 =	sor.u32 $0xD0000000, s2;
	s6 =	simm.s32 $0x108;
	_ =	swait.ge @!p0 [sflag:s8], $0x0  }
0x24: {  	s3 =	sadd.s32 $0x88, s3;
	s6 =	simm.s32 @!p1 $0x1082;
	[sflag:s4] =	ssyncset.s32 $0xFFFFF086  }
0x25: {  	[simem:s6], [sflag:s4] =	dma.local [hbm:s3], $0xF7A  }
0x26: {  	[smem:$0x3F9F] =	sst s1;
	(tag) =	ssettag s2;
	_ =	strace s9  }
0x27: {  	s1 =	sld [smem:$0x3FAF]  }
0x28: {  	s2 =	sld [smem:$0x3FB0]  }
0x29: {  	s4 =	sld [smem:$0x3FB2]  }
0x2a: {  	p0 =	seq.s32 s5, $0x0;
	s5 =	sld [smem:$0x3FB3]  }
0x2b: {  	s6 =	sld [smem:$0x3FB4]  }
0x2c: {  	s7 =	sld [smem:$0x3FB5]  }
0x2d: {  	s3 =	simm.s32 $0x108;
	s8 =	sld [smem:$0x3FB6]  }
0x2e: {  	s3 =	simm.s32 @!p0 $0x1082;
	s9 =	sld [smem:$0x3FB7]  }
0x2f: {  	lr =	sadd.s32 s0, s3;
	s0 =	sld [smem:$0x3FAE]  }
0x30: {  	s3 =	sld [smem:$0x3FB1]  }
0x31: {  	[smem:$0x3FBA] =	sst s10  }
0x32: {  	s10 =	sld [smem:$0x3FB8];
	_ =	sdelay $0x3  }
0x33: {  	p0 =	seq.s32 s10, $0x1;
	s10 =	sld [smem:$0x3FBA];
	_ =	sdelay $0x3  }
0x34: {  	[smem:$0x3FBA] =	sst s10  }
0x35: {  	s10 =	sld [smem:$0x3FB9];
	_ =	sdelay $0x3  }
0x36: {  	p1 =	seq.s32 s10, $0x1;
	s10 =	sld [smem:$0x3FBA];
	_ =	sdelay $0x3  }
0x37: {  	[smem:$0x3FBA] =	sst s10  }
0x38: {  	s10 =	sld [smem:$0x3FBB]  }
0x39: {  	_ = 	snop;
	(pc) =	sbr.ind lr, $3  }
0x3a: {  	_ = 	snop  }
0x3b: {  	_ = 	snop  }
0x3c: {  	p2 =	seq.s32 s10, $0x1;
	s10 =	sld [smem:$0x3FBA]  }
0x3d: {  	_ =	shalt  }
0x3e: {  	_ =	shalt  }
0x3f: {  	_ =	shalt  }
0x40: {  	_ =	shalt  }
0x41: {  	_ =	shalt  }
0x42: {  	_ =	shalt  }
0x43: {  	_ =	shalt  }
0x44: {  	_ =	shalt  }
0x45: {  	_ =	shalt  }
0x46: {  	_ =	shalt  }
0x47: {  	_ =	shalt  }
0x48: {  	_ =	shalt  }
0x49: {  	_ =	shalt  }
0x4a: {  	_ =	shalt  }
0x4b: {  	_ =	shalt  }
0x4c: {  	_ =	shalt  }
0x4d: {  	_ =	shalt  }
0x4e: {  	_ =	shalt  }
0x4f: {  	_ =	shalt  }
0x50: {  	_ =	shalt  }
0x51: {  	_ =	shalt  }
0x52: {  	_ =	shalt  }
0x53: {  	_ =	shalt  }
0x54: {  	_ =	shalt  }
0x55: {  	_ =	shalt  }
0x56: {  	_ =	shalt  }
0x57: {  	_ =	shalt  }
0x58: {  	_ =	shalt  }
0x59: {  	_ =	shalt  }
0x5a: {  	_ =	shalt  }
0x5b: {  	_ =	shalt  }
0x5c: {  	_ =	shalt  }
0x5d: {  	_ =	shalt  }
0x5e: {  	_ =	shalt  }
0x5f: {  	_ =	shalt  }
0x60: {  	_ =	shalt  }
0x61: {  	_ =	shalt  }
0x62: {  	_ =	shalt  }
0x63: {  	_ =	shalt  }
0x64: {  	_ =	shalt  }
0x65: {  	_ =	shalt  }
0x66: {  	_ =	shalt  }
0x67: {  	_ =	shalt  }
0x68: {  	_ =	shalt  }
0x69: {  	_ =	shalt  }
0x6a: {  	_ =	shalt  }
0x6b: {  	_ =	shalt  }
0x6c: {  	_ =	shalt  }
0x6d: {  	_ =	shalt  }
0x6e: {  	_ =	shalt  }
0x6f: {  	_ =	shalt  }
0x70: {  	_ =	shalt  }
0x71: {  	_ =	shalt  }
0x72: {  	_ =	shalt  }
0x73: {  	_ =	shalt  }
0x74: {  	_ =	shalt  }
0x75: {  	_ =	shalt  }
0x76: {  	_ =	shalt  }
0x77: {  	_ =	shalt  }
0x78: {  	_ =	shalt  }
0x79: {  	_ =	shalt  }
0x7a: {  	_ =	shalt  }
0x7b: {  	_ =	shalt  }
0x7c: {  	_ =	shalt  }
0x7d: {  	_ =	shalt  }
0x7e: {  	_ =	shalt  }
0x7f: {  	_ =	shalt  }
0x80: {  	_ =	shalt  }
0x81: {  	_ =	shalt  }
0x82: {  	_ =	shalt  }
0x83: {  	_ =	shalt  }
0x84: {  	_ =	shalt  }
0x85: {  	_ =	shalt  }
0x86: {  	_ =	shalt  }
0x87: {  	_ =	shalt  }
.Lfunc_end0:
.L_simem_size_0:
called_computation_lowered:
.L_overlay_start_0:
0x88: {  	s0 =	sld [smem:$0x3FD9]  }
0x89: {  	s1 =	sld [smem:$0x3FFE];
	_ =	sdelay $0x3  }
0x8a: {  	s0 =	sadd.s32 s1, s0  }
0x8b: {  	[smem:$0x3FC6] =	sst s0  }
0x8c: {  	_ = 	snop  }
0x8d: {  	s0 =	sld [smem:$0x3FD0];
	(tm) =	ssettm $0x1  }
0x8e: {  	s16 =	sld [smem:$0x3FFB];
	_ =	sdelay $0x3  }
0x8f: {  	_ =	strace s16  }
0x90: {  	s1 =	sld [smem:$0x3FFC];
	_ =	sdelay $0x3  }
0x91: {  	_ =	strace s1  }
0x92: {  	s1 =	sld [smem:$0x3FFD];
	_ =	sdelay $0x3  }
0x93: {  	_ =	strace s1  }
0x94: {  	_ =	strace $0x8FFFFFFF  }
0x95: {  	s17 =	sld [smem:$0x3FDB];
	_ =	sdelay $0x1  }
0x96: {  	s2 =	simm.s32 $_scs_section_size  }
0x97: {  	s3 =	simm.s32 $_size__tile_overlayer_lowered;
	s4 =	simm.s32 $_tile_overlayer_lowered  }
0x98: {  	s20 =	simm.s32 $0x1BFF;
	s19 =	sshll.u32 s4, $0x1;
	s1 =	sadd.s32 s2, s17  }
0x99: {  	s5 =	simm.s32 $0x0;
	s18 =	sshll.u32 s3, $0x1;
	s3 =	sadd.s32 s19, s1  }
0x9a: {  	[timem:s5], [sflag:s20] =	dma.local [hbm:s3], s18  }
0x9b: {  	_ =	swait.ge [sflag:s20], s18  }
0x9c: {  	s2 =	ssub.s32 $0x0, s18;
	[sflag:s20] =	ssyncset.done $0x0  }
0x9d: {  	[sflag:s20] =	ssyncadd.s32 s2;
	_ =	sdelay $0x1  }
0x9e: {  	s21 =	simm.s32 $0x1B8B  }
0x9f: {  	_ =	swait.ge [sflag:s21], $0x1  }
0xa0: {  	[sflag:s21] =	ssyncset.done $0x0  }
0xa1: {  	s23 =	simm.s32 $0x1B8E;
	s22 =	sld [smem:$0x3FFE];
	[sflag:s21] =	ssyncadd.s32 $0xFFFFFFFF  }
0xa2: {  	s24 =	simm.s32 $execute0_lowered;
	[smem:$0x3FD2] =	sst s23  }
0xa3: {  	s3 =	sshll.u32 s24, $0x1;
	_ =	strace $0x80000046;
	[dreg:$0x1] =	wrdreg $0xFFFFFFFF  }
0xa4: {  	s25 =	simm.s32 $_size_execute0_lowered;
	s1 =	sadd.s32 s1, s3;
	[dreg:$0x0] =	wrdreg $0x0  }
0xa5: {  	s3 =	sshll.u32 s25, $0x1;
	[dreg:$0x2] =	wrdreg s1  }
0xa6: {  	[dreg:$0x3] =	wrdreg s3  }
0xa7: {  	[dreg:$0x4] =	wrdreg $0xC0  }
0xa8: {  	_ =	task [dreg:s5], $0x5FFFF  }
0xa9: {  	[dreg:$0x1] =	wrdreg $0xFFFFFFFF  }
0xaa: {  	[dreg:$0x0] =	wrdreg $0x60  }
0xab: {  	[dreg:$0x2] =	wrdreg s22  }
0xac: {  	[dreg:$0x3] =	wrdreg s0  }
0xad: {  	[dreg:$0x4] =	wrdreg $0x9  }
0xae: {  	_ =	task.clear_ibuf [dreg:s5], $0x5FFFF;
	_ =	strace $0x90000046  }
0xaf: {  	s26 =	simm.s32 $0x9;
	_ =	strace $0x80000048  }
0xb0: {  	_ =	swait.ge [sflag:s26], $0x1  }
0xb1: {  	[sflag:s26] =	ssyncadd.s32 $0xFFFFFFFF  }
0xb2: {  	_ =	strace $0x90000048  }
0xb3: {  	_ =	sfence  }
0xb4: {  	s28 =	sld [smem:$0x0];
	_ =	sdelay $0x1  }
0xb5: {  	s29 =	srdreg.scid  }
0xb6: {  	s30 =	sshll.u32 s29, $0xD;
	s31 =	sshrl.u32 s29, $0x2  }
0xb7: {  	s2 =	sand.u32 $0x4000, s30;
	s1 =	sand.u32 $0x1, s29;
	s0 =	sadd.s32 s31, s28  }
0xb8: {  	s1 =	sor.u32 s2, s1;
	s0 =	sshll.u32 s0, $0x11  }
0xb9: {  	s0 =	sor.u32 s0, s1  }
0xba: {  	s0 =	sadd.s32 $0x8F2B, s0  }
0xbb: {  	[sflag:s0] =	ssyncadd.remote.s32 $0x1  }
0xbc: {  	_ =	sfence.sel $0xFFFF  }
0xbd: {  	[dreg:$0x0] =	wrdreg $0xFFFFFFFF;
	(pc) =	sbr.abs _section_cstart, $3  }
0xbe: {  	[dreg:$0x1] =	wrdreg $0xFFFFFFFF  }
0xbf: {  	_ =	task.clear_ibuf [dreg:s5], $0x2FFFF;
	_ =	strace $0x9FFFFFFF  }
0xc0: {  	(tm) =	ssettm $0x7FFFFFFF  }
0xc1: {  	_ =	shalt  }
tec
execute0_lowered:
.L_overlay_start_1:
0x0: {  	(tag) =	ssettag $0x1  }
0x1: {  	s3 =	rddreg [dreg:$0x0]  }
0x2: {  	s1 =	rddreg [dreg:$0x1];
	s2 =	stileid.u32  }
0x3: {  	s0 =	rddreg [dreg:$0x2];
	_ =	strace $0x80000047;
	p0 =	sne.s32 s2, $0x0  }
0x4: {  	_ =	sfence.sel @p0 $0x180000  }
0x5: {  	[bflag:$0x0] =	sbarrier.arrive @p0 $0xFFFF  }
0x6: {  	_ =	strace @p0 $0x90000047  }
0x7: {  	[bflag:$0x2] =	sbarrier.arrive @p0 $0xFFFF  }
0x8: {  	_ =	shalt @p0  }
.LBB2_1:
0x9: {  	s4 =	sadd.s32 $0x1600, s3;
	s2 =	simm.s32 $0x0;
	s5 =	simm.s32 $0x2000  }
0xa: {  	[tilespmem:s5], [sflag:$0x2] =	stream.linear.gather [hbm4b:s4+s2], $0x40, $0x38;
	[tilespmem:$0x2050] =	vst v63  }
0xb: {  	s26 =	sadd.s32 $0x600, s3;
	s28 =	simm.s32 $0x2  }
0xc: {  	v0 =	vimm.s32 $0x10201;
	[tilespmem:s2], [sflag:$0x1] =	stream.linear.gather [hbm4b:s26+s2], $0x2000, $0x38;
	[tilespmem:$0x2050] =	vst v63  }
0xd: {  	vm0 =	vcmask $0x704;
	v1 =	vimm.s32 $0x0;
	v0 =	vunpack.c.0.s8.s32 v0;
	_ =	swait.ge [sflag:s28], $0x40  }
0xe: {  	vm12 =	vcmask $0xF00;
	v2 =	vsel vm0, $0x1, v1;
	[sflag:s28] =	ssyncset.done $0x0  }
0xf: {  	s29 =	simm.s32 $0x1;
	v0 =	vnsel vm12, $0x0, v0;
	[sflag:s28] =	ssyncadd.s32 $0xFFFFFFC0  }
0x10: {  	_ =	swait.ge [sflag:s29], $0x2000  }
0x11: {  	[sflag:s29] =	ssyncset.done $0x0  }
0x12: {  	[sflag:s29] =	ssyncadd.s32 $0xFFFFE000  }
0x13: {  	v2 =	vld.idx.msk [tilespmem:v2+s5+$0x0], $0xffff  }
0x14: {  	v0 =	vld.idx.msk [tilespmem:v0+s5+$0x0], $0xffff;
	_ =	sdelay $0x3  }
0x15: {  	vm13 =	vcmask $0xB00  }
0x16: {  	v1 =	vsel vm13, $0x8, v1;
	v0 =	vshll.u32 v0, $0x3;
	v2 =	vshll.u32 v2, $0x3  }
0x17: {  	v0 =	vadd.s32 v1, v0  }
0x18: {  	v57 =	vor.u32 $0x1, v2  }
0x19: {  	v3 =	vor.u32 $0x1, v0  }
0x1a: {  	v4 =	vor.u32 $0x2, v2  }
0x1b: {  	v5 =	vor.u32 $0x2, v0;
	v2 =	vld.idx.msk [tilespmem:v2+s2+$0x0], $0xffff  }
0x1c: {  	v0 =	vld.idx.msk [tilespmem:v0+s2+$0x0], $0xffff  }
0x1d: {  	v1 =	vld.idx.msk [tilespmem:v57+s2+$0x0], $0xffff  }
0x1e: {  	v3 =	vld.idx.msk [tilespmem:v3+s2+$0x0], $0xffff  }
0x1f: {  	v4 =	vld.idx.msk [tilespmem:v4+s2+$0x0], $0xffff  }
0x20: {  	v5 =	vld.idx.msk [tilespmem:v5+s2+$0x0], $0xffff;
	_ =	sdelay $0x2  }
0x21: {  	v0 =	vsub.f32 v2, v0;
	v1 =	vsub.f32 v1, v3;
	_ =	sdelay $0x1  }
0x22: {  	v58 =	vsub.f32 v4, v5;
	v0 =	vmul.f32 v0, v0;
	v1 =	vmul.f32 v1, v1;
	_ =	sdelay $0x1  }
0x23: {  	v59 =	vmul.f32 v58, v58;
	v0 =	vadd.f32 v1, v0;
	_ =	sdelay $0x1  }
0x24: {  	v0 =	vadd.f32 v59, v0;
	_ =	sdelay $0x1  }
0x25: {  	v0 =	vmax.f32 v0, $1.000000000e-30  }
0x26: {  	v60 =	vshra.s32 v0, $0x1;
	v61 =	vmul.f32 $5.000000000e-01, v0  }
0x27: {  	v1 =	vsub.s32 $0x5F3759DF, v60  }
0x28: {  	v62 =	vmul.f32 v1, v61;
	_ =	sdelay $0x1  }
0x29: {  	v3 =	vmul.f32 v1, v62;
	_ =	sdelay $0x1  }
0x2a: {  	v3 =	vsub.f32 $1.500000000e+00, v3;
	_ =	sdelay $0x1  }
0x2b: {  	v1 =	vmul.f32 v1, v3;
	_ =	sdelay $0x1  }
0x2c: {  	v3 =	vmul.f32 v1, v61;
	_ =	sdelay $0x1  }
0x2d: {  	v3 =	vmul.f32 v3, v1;
	_ =	sdelay $0x1  }
0x2e: {  	v3 =	vsub.f32 $1.500000000e+00, v3;
	_ =	sdelay $0x1  }
0x2f: {  	v1 =	vmul.f32 v3, v1;
	_ =	sdelay $0x1  }
0x30: {  	v2 =	vmul.f32 v1, v61;
	_ =	sdelay $0x1  }
0x31: {  	v2 =	vmul.f32 v2, v1;
	_ =	sdelay $0x1  }
0x32: {  	v2 =	vsub.f32 $1.500000000e+00, v2;
	_ =	sdelay $0x1  }
0x33: {  	v1 =	vmul.f32 v2, v1;
	_ =	sdelay $0x1  }
0x34: {  	v0 =	vmul.f32 v1, v0;
	_ =	sdelay $0x1  }
0x35: {  	v0 =	vadd.f32 $-4.000000000e+00, v0;
	_ =	sdelay $0x1  }
0x36: {  	v0 =	vmul.f32 v0, v0  }
0x37: {  	vm14 =	vmmov $0x7  }
0x38: {  	v0 =	vnsel vm14, $0x0, v0  }
0x39: {  	(xrf2) =	vadd.scan.msk.f32 $0xffff, v0;
	_ =	sdelay $0x9  }
0x3a: {  	v0, _, _ =	vpop (xrf2)  }
0x3b: {  	vm15 =	vcmask $0x300;
	v63 =	vimm.f32 $0.0e+00;
	v0 =	vbroadcast v0, $0xF  }
0x3c: {  	v1 =	vsel vm15, $0x3F800000, v63  }
0x3d: {  	v0 =	vmul.f32 v1, v0;
	_ =	sdelay $0x1  }
0x3e: {  	v0 =	vadd.f32 $0.0e+00, v0;
	_ =	sdelay $0x1  }
0x3f: {  	s30 =	simm.s32 $0x2040;
	s31 =	simm.s32 $0x3;
	[tilespmem:$0x2040] =	vst v0  }
0x40: {  	[hbm4b:s1+s2] =	stream.linear.scatter [tilespmem:s30], [sflag:$0x3], $0x4, $0x38;
	[tilespmem:$0x2050] =	vst v63  }
0x41: {  	_ =	swait.ge [sflag:s31], $0x4  }
0x42: {  	[sflag:s31] =	ssyncset.done $0x0  }
0x43: {  	[sflag:s31] =	ssyncadd.s32 $0xFFFFFFFC  }
0x44: {  	_ =	sfence.sel $0x180000  }
0x45: {  	[bflag:$0x0] =	sbarrier.arrive $0xFFFF  }
0x46: {  	_ =	strace $0x90000047  }
0x47: {  	s0 =	sadd.s32 $0x100000, s0;
	[bflag:$0x2] =	sbarrier.arrive $0xFFFF  }
0x48: {  	[sflag:s0] =	ssyncadd.tile.s32 $0x1;
	_ =	shalt  }
.Lfunc_end2:
_tile_overlayer_lowered:
.L_overlay_start_2:
0x49: {  	(tag) =	ssettag $0x2  }
0x4a: {  	s0 =	rddreg [dreg:$0x0];
	s2 =	stileid.u32  }
0x4b: {  	s1 =	rddreg [dreg:$0x1];
	p0 =	sne.s32 s2, $0x0  }
0x4c: {  	s3 =	rddreg [dreg:$0x2];
	[bflag:$0x3] =	sbarrier.arrive $0xFFFF;
	s2 =	simm.s32 @!p0 $0x1C03  }
0x4d: {  	[timem:s3], [sflag:s2] =	dma.local @!p0 [hbm:s0], s1  }
0x4e: {  	s0 =	simm.s32 @!p0 $0x3  }
0x4f: {  	_ =	swait.ge @!p0 [sflag:s0], s1  }
0x50: {  	s1 =	ssub.s32 @!p0 $0x0, s1;
	[sflag:s0] =	ssyncset.done @!p0 $0x0  }
0x51: {  	[sflag:s0] =	ssyncadd.s32 @!p0 s1  }
0x52: {  	[bflag:$0x3] =	sbarrier.arrive $0xFFFF  }
0x53: {  	_ =	shalt  }

</sc_bundles>
